<compile_context>
chip_gen: v7x
topology: tpu7x:2x2x1
jax: 0.10.2.dev20260603
libtpu: 0.0.44.dev20260713+nightly
codegen_flags: <defaults>
</compile_context>

<pallas_src>
import functools

import jax
import jax.numpy as jnp
from jax import lax
from jax.experimental import pallas as pl
from jax.experimental.pallas import tpu as pltpu

S = 128
N = 4096
D = 64


def _isir_body(tc_ref, wc_ref, prop_ref, gum_ref, m_ref,
               traj_out, w_out, i_out, r_out, best_ref):
    s = pl.program_id(0)
    u = gum_ref[0]
    g = -jnp.log(-jnp.log(u + 1e-12) + 1e-12)
    c_idx = lax.broadcasted_iota(jnp.int32, (1, N), 1)

    @pl.when(s == 0)
    def _():
        t = tc_ref[...]
        traj_out[0] = t
        w = wc_ref[...]
        w_out[0] = w
        best_ref[...] = w + g
        i_out[...] = jnp.zeros((1, N), jnp.int32)
        r_out[...] = c_idx

    @pl.when(s > 0)
    def _():
        t = prop_ref[0]
        traj_out[0] = t
        m = m_ref[...]
        half_m2 = 0.5 * jnp.sum(m * m)
        w = lax.dot_general(m, t, (((1,), (1,)), ((), ())),
                            preferred_element_type=jnp.float32,
                            precision=lax.Precision.HIGHEST) - half_m2
        w_out[0] = w
        score = w + g
        win = score > best_ref[...]
        best_ref[...] = jnp.where(win, score, best_ref[...])
        i_out[...] = jnp.where(win, s, i_out[...])
        r_out[...] = jnp.where(win, s * N + c_idx, r_out[...])


def _isir_pass(traj_cur, wc2, proposals, gu3, m2, interpret=False):
    return pl.pallas_call(
        _isir_body,
        grid=(S,),
        in_specs=[
            pl.BlockSpec((N, D), lambda s: (0, 0)),
            pl.BlockSpec((1, N), lambda s: (0, 0)),
            pl.BlockSpec((1, N, D), lambda s: (jnp.maximum(s - 1, 0), 0, 0)),
            pl.BlockSpec((1, 1, N), lambda s: (s, 0, 0)),
            pl.BlockSpec((1, D), lambda s: (0, 0)),
        ],
        out_specs=[
            pl.BlockSpec((1, N, D), lambda s: (s, 0, 0)),
            pl.BlockSpec((1, 1, N), lambda s: (s, 0, 0)),
            pl.BlockSpec((1, N), lambda s: (0, 0)),
            pl.BlockSpec((1, N), lambda s: (0, 0)),
        ],
        out_shape=[
            jax.ShapeDtypeStruct((S, N, D), jnp.float32),
            jax.ShapeDtypeStruct((S, 1, N), jnp.float32),
            jax.ShapeDtypeStruct((1, N), jnp.int32),
            jax.ShapeDtypeStruct((1, N), jnp.int32),
        ],
        scratch_shapes=[pltpu.VMEM((1, N), jnp.float32)],
        interpret=interpret,
    )(traj_cur, wc2, proposals, gu3, m2)


_NC, _NS, _L = 2, 16, 16
_NW = _NC * _NS
_BPW = N // _NW


@functools.cache
def _sc_gather_build():
    from jax.experimental.pallas import tpu_sc as plsc
    mesh = plsc.VectorSubcoreMesh(core_axis_name="c", subcore_axis_name="s")

    @functools.partial(
        pl.kernel, mesh=mesh,
        compiler_params=pltpu.CompilerParams(use_tc_tiling_on_sc=False),
        out_type=jax.ShapeDtypeStruct((N, D), jnp.float32),
        scratch_types=[
            pltpu.VMEM((_BPW,), jnp.int32),
            pltpu.VMEM((_BPW, D), jnp.float32),
            pltpu.SemaphoreType.DMA,
        ],
    )
    def gather_k(table_hbm, idx_hbm, out_hbm, idx_v, rows_v, sem):
        wid = lax.axis_index("s") * _NC + lax.axis_index("c")
        base = wid * _BPW
        pltpu.sync_copy(idx_hbm.at[pl.ds(base, _BPW)], idx_v)
        pltpu.async_copy(table_hbm.at[idx_v], rows_v, sem).wait()
        pltpu.sync_copy(rows_v, out_hbm.at[pl.ds(base, _BPW)])

    return gather_k


def kernel(traj_cur, weights_cur, proposals, gumbel_u, target_mean):
    wc2 = weights_cur.reshape(1, N)
    gu3 = gumbel_u.reshape(S, 1, N)
    m2 = target_mean.reshape(1, D)
    traj_tot, w3, i2, r2 = _isir_pass(traj_cur, wc2, proposals, gu3, m2)
    weights_tot = w3.reshape(S, N)
    i = i2.reshape(N)
    traj_sel = _sc_gather_build()(traj_tot.reshape(S * N, D), r2.reshape(N))
    return (traj_tot, weights_tot, i, traj_sel)

# --- scband reference (transcript-rebuilt; emitter-appended) ---
"""Pipeline reference for scband-isir-61186104099357 (READ-ONLY COPY).

The authoritative reference and input builder live on the scoring server;
editing this copy changes nothing except your own understanding.
"""

import jax, jax.numpy as jnp
import numpy as np
from jax.scipy.special import logsumexp

DIM = 64
NUM_SAMPLES = 128
N_CHAIN = 4096
LOG2PI = float(np.log(2.0 * np.pi))


def setup_inputs(seed: int = 0) -> dict:
    key = jax.random.key(seed)
    k1, k2, k3, k4, k5 = jax.random.split(key, 5)
    traj_cur = jax.random.normal(k1, (N_CHAIN, DIM), dtype=jnp.float32)
    weights_cur = jax.random.normal(k2, (N_CHAIN,), dtype=jnp.float32)
    proposals = jax.random.normal(k3, (NUM_SAMPLES - 1, N_CHAIN, DIM), dtype=jnp.float32)
    gumbel_u = jax.random.uniform(k4, (NUM_SAMPLES, N_CHAIN), dtype=jnp.float32, minval=0.0, maxval=1.0)
    target_mean = jax.random.normal(k5, (DIM,), dtype=jnp.float32)
    return {
        'traj_cur': traj_cur,
        'weights_cur': weights_cur,
        'proposals': proposals,
        'gumbel_u': gumbel_u,
        'target_mean': target_mean,
    }


def reference(traj_cur, weights_cur, proposals, gumbel_u, target_mean):
    # One ISIR (iterated sampling importance resampling) sample_step.
    # loglikelihood: target is N(target_mean, I); importance distr: N(0, I).
    dim = traj_cur.shape[-1]

    def loglikelihood(z):
        return -0.5 * jnp.sum((z - target_mean) ** 2, axis=-1) - 0.5 * dim * LOG2PI

    def importance_logpdf(z):
        return -0.5 * jnp.sum(z ** 2, axis=-1) - 0.5 * dim * LOG2PI

    # Estimator.log_estimate_gibbs_correlated: importance log-weights of the
    # (num_samples - 1) fresh proposals, per chain.
    weights_new = loglikelihood(proposals) - importance_logpdf(proposals)  # [S-1, n_chain]

    # Concatenate current state with proposals (Gibbs: current point kept at slot 0).
    weights_tot = jnp.concatenate([weights_cur[None, :], weights_new], axis=0)  # [S, n_chain]
    traj_tot = jnp.concatenate([traj_cur[None, :, :], proposals], axis=0)       # [S, n_chain, dim]

    # Categorical resampling per chain (multinomial over normalized log-weights),
    # realized with the Gumbel-max trick using the provided uniform noise.
    log_probs = weights_tot - logsumexp(weights_tot, axis=0, keepdims=True)
    g = -jnp.log(-jnp.log(gumbel_u + 1e-12) + 1e-12)
    i = jnp.argmax(log_probs + g, axis=0)  # int index per chain, [n_chain]

    # Gather the selected weight and trajectory per chain.
    weights_sel = jnp.take_along_axis(weights_tot, i[None, :], axis=0)[0]
    idx = jnp.broadcast_to(i[None, :, None], (1,) + traj_tot.shape[1:])
    traj_sel = jnp.take_along_axis(traj_tot, idx, axis=0)[0]

    return (traj_tot, weights_tot, i, traj_sel)

if __name__ == "__main__":
    import jax
    _d = setup_inputs()
    print(jax.jit(kernel)(*tuple(_d.values())))

</pallas_src>

<mosaic_0001>
#map = affine_map<(d0, d1) -> (0, 0)>
#map1 = affine_map<(d0, d1) -> (0)>
module attributes {stable_mosaic.version = 14 : i64} {
  func.func @gather_k(%arg0: i32, %arg1: i32, %arg2: memref<524288x64xf32, #tpu.memory_space<hbm>>, %arg3: memref<4096xi32, #tpu.memory_space<hbm>>, %arg4: memref<4096x64xf32, #tpu.memory_space<hbm>>, %arg5: memref<128xi32, #tpu.memory_space<vmem>>, %arg6: memref<128x64xf32, #tpu.memory_space<vmem>>, %arg7: memref<!tpu.dma_semaphore, #tpu.memory_space<semaphore_mem>>) attributes {dimension_semantics = [#tpu.dimension_semantics<core_parallel>, #tpu.dimension_semantics<subcore_parallel>], iteration_bounds = array<i64: 2, 16>, scalar_prefetch = 0 : i64, scratch_operands = 3 : i64, tpu.core_type = #tpu.core_type<sc_vector_subcore>, window_params = [{transform_indices = #map}, {transform_indices = #map1}, {transform_indices = #map}]} {
    %mul3A = arith.constant 2 : i32
    %mul3A_0 = arith.muli %arg1, %mul3A : i32
    %add3A = arith.addi %mul3A_0, %arg0 : i32
    %mul3A_1 = arith.constant 128 : i32
    %mul3A_2 = arith.muli %add3A, %mul3A_1 : i32
    "tpu.region"() ({
      %run_scoped3A = tpu.sem_alloc : memref<!tpu.dma_semaphore, #tpu.memory_space<semaphore_mem>>
      %dma_start3A_7 = tpu.memref_slice %arg3[%mul3A_2] : memref<4096xi32, #tpu.memory_space<hbm>> -> memref<128xi32, #tpu.memory_space<hbm>>
      %dma_start3A_8 = tpu.memref_slice %arg3[%mul3A_2] : memref<4096xi32, #tpu.memory_space<hbm>> -> memref<128xi32, #tpu.memory_space<hbm>>
      tpu.enqueue_dma source(%dma_start3A_8 : memref<128xi32, #tpu.memory_space<hbm>>) target(%arg5 : memref<128xi32, #tpu.memory_space<vmem>>) target_semaphore(%run_scoped3A : memref<!tpu.dma_semaphore, #tpu.memory_space<semaphore_mem>>)
      %dma_wait3A_9 = tpu.memref_slice %arg3[%mul3A_2] : memref<4096xi32, #tpu.memory_space<hbm>> -> memref<128xi32, #tpu.memory_space<hbm>>
      %dma_wait3A_10 = tpu.memref_slice %arg3[%mul3A_2] : memref<4096xi32, #tpu.memory_space<hbm>> -> memref<128xi32, #tpu.memory_space<hbm>>
      tpu.wait_dma2 semaphore(%run_scoped3A : memref<!tpu.dma_semaphore, #tpu.memory_space<semaphore_mem>>) src(%dma_wait3A_10 : memref<128xi32, #tpu.memory_space<hbm>>) dst(%arg5 : memref<128xi32, #tpu.memory_space<vmem>>)
      tpu.yield
    }) : () -> ()
    %dma_start3A = arith.constant 0 : i32
    %dma_start3A_3 = arith.constant 0 : i32
    %dma_start3A_4 = tpu.memref_slice %arg2[%dma_start3A, %dma_start3A_3] : memref<524288x64xf32, #tpu.memory_space<hbm>> -> memref<524288x64xf32, #tpu.memory_space<hbm>>
    tpu.enqueue_indirect_dma source(%dma_start3A_4 : memref<524288x64xf32, #tpu.memory_space<hbm>>) target(%arg6 : memref<128x64xf32, #tpu.memory_space<vmem>>) offsets(%arg5 : memref<128xi32, #tpu.memory_space<vmem>>) semaphore(%arg7 : memref<!tpu.dma_semaphore, #tpu.memory_space<semaphore_mem>>)
    %dma_wait3A = arith.constant 0 : i32
    %dma_wait3A_5 = arith.constant 0 : i32
    %dma_wait3A_6 = tpu.memref_slice %arg2[%dma_wait3A, %dma_wait3A_5] : memref<524288x64xf32, #tpu.memory_space<hbm>> -> memref<524288x64xf32, #tpu.memory_space<hbm>>
    tpu.wait_indirect_dma semaphore(%arg7 : memref<!tpu.dma_semaphore, #tpu.memory_space<semaphore_mem>>) src(%dma_wait3A_6 : memref<524288x64xf32, #tpu.memory_space<hbm>>) dst(%arg6 : memref<128x64xf32, #tpu.memory_space<vmem>>)
    "tpu.region"() ({
      %run_scoped3A = tpu.sem_alloc : memref<!tpu.dma_semaphore, #tpu.memory_space<semaphore_mem>>
      %dma_start3A_7 = arith.constant 0 : i32
      %dma_start3A_8 = tpu.memref_slice %arg4[%mul3A_2, %dma_start3A_7] : memref<4096x64xf32, #tpu.memory_space<hbm>> -> memref<128x64xf32, #tpu.memory_space<hbm>>
      %dma_start3A_9 = arith.constant 0 : i32
      %dma_start3A_10 = tpu.memref_slice %arg4[%mul3A_2, %dma_start3A_9] : memref<4096x64xf32, #tpu.memory_space<hbm>> -> memref<128x64xf32, #tpu.memory_space<hbm>>
      tpu.enqueue_dma source(%arg6 : memref<128x64xf32, #tpu.memory_space<vmem>>) target(%dma_start3A_10 : memref<128x64xf32, #tpu.memory_space<hbm>>) target_semaphore(%run_scoped3A : memref<!tpu.dma_semaphore, #tpu.memory_space<semaphore_mem>>)
      %dma_wait3A_11 = arith.constant 0 : i32
      %dma_wait3A_12 = tpu.memref_slice %arg4[%mul3A_2, %dma_wait3A_11] : memref<4096x64xf32, #tpu.memory_space<hbm>> -> memref<128x64xf32, #tpu.memory_space<hbm>>
      %dma_wait3A_13 = arith.constant 0 : i32
      %dma_wait3A_14 = tpu.memref_slice %arg4[%mul3A_2, %dma_wait3A_13] : memref<4096x64xf32, #tpu.memory_space<hbm>> -> memref<128x64xf32, #tpu.memory_space<hbm>>
      tpu.wait_dma2 semaphore(%run_scoped3A : memref<!tpu.dma_semaphore, #tpu.memory_space<semaphore_mem>>) src(%arg6 : memref<128x64xf32, #tpu.memory_space<vmem>>) dst(%dma_wait3A_14 : memref<128x64xf32, #tpu.memory_space<hbm>>)
      tpu.yield
    }) : () -> ()
    return
  }
}

module attributes {stable_mosaic.version = 14 : i64} {
  func.func @_isir_body(%arg0: i32, %arg1: memref<4096x64xf32, #tpu.memory_space<vmem>>, %arg2: memref<1x4096xf32, #tpu.memory_space<vmem>>, %arg3: memref<1x4096x64xf32, #tpu.memory_space<vmem>>, %arg4: memref<1x1x4096xf32, #tpu.memory_space<vmem>>, %arg5: memref<1x64xf32, #tpu.memory_space<vmem>>, %arg6: memref<1x4096x64xf32, #tpu.memory_space<vmem>>, %arg7: memref<1x1x4096xf32, #tpu.memory_space<vmem>>, %arg8: memref<1x4096xi32, #tpu.memory_space<vmem>>, %arg9: memref<1x4096xi32, #tpu.memory_space<vmem>>, %arg10: memref<1x4096xf32, #tpu.memory_space<vmem>>) attributes {dimension_semantics = [#tpu.dimension_semantics<arbitrary>], iteration_bounds = array<i64: 128>, scalar_prefetch = 0 : i64, scratch_operands = 1 : i64, tpu.core_type = #tpu.core_type<tc>, window_params = [{pipeline_mode = #tpu.pipeline_mode<synchronous>, transform_indices = @transform_0, window_bounds = array<i64: 4096, 64>}, {pipeline_mode = #tpu.pipeline_mode<synchronous>, transform_indices = @transform_1, window_bounds = array<i64: 1, 4096>}, {transform_indices = @transform_2, window_bounds = array<i64: 1, 4096, 64>}, {transform_indices = @transform_3, window_bounds = array<i64: 1, 1, 4096>}, {pipeline_mode = #tpu.pipeline_mode<synchronous>, transform_indices = @transform_4, window_bounds = array<i64: 1, 64>}, {transform_indices = @transform_5, window_bounds = array<i64: 1, 4096, 64>}, {transform_indices = @transform_6, window_bounds = array<i64: 1, 1, 4096>}, {pipeline_mode = #tpu.pipeline_mode<synchronous>, transform_indices = @transform_7, window_bounds = array<i64: 1, 4096>}, {pipeline_mode = #tpu.pipeline_mode<synchronous>, transform_indices = @transform_8, window_bounds = array<i64: 1, 4096>}]} {
    %get3A = arith.constant 0 : index
    %get3A_0 = arith.constant 0 : index
    %get3A_1 = arith.constant 0 : index
    %get3A_2 = vector.load %arg4[%get3A, %get3A_0, %get3A_1] : memref<1x1x4096xf32, #tpu.memory_space<vmem>>, vector<1x1x4096xf32>
    %get3A_3 = vector.shape_cast %get3A_2 : vector<1x1x4096xf32> to vector<1x4096xf32>
    %add3A = arith.constant 9.99999996E-13 : f32
    %add3A_4 = vector.broadcast %add3A : f32 to vector<1x4096xf32>
    %add3A_5 = arith.addf %get3A_3, %add3A_4 : vector<1x4096xf32>
    %log3A = math.log %add3A_5 : vector<1x4096xf32>
    %neg3A = arith.constant 0.000000e+00 : f32
    %neg3A_6 = vector.broadcast %neg3A : f32 to vector<1x4096xf32>
    %neg3A_7 = arith.subf %neg3A_6, %log3A : vector<1x4096xf32>
    %add3A_8 = arith.constant 9.99999996E-13 : f32
    %add3A_9 = vector.broadcast %add3A_8 : f32 to vector<1x4096xf32>
    %add3A_10 = arith.addf %neg3A_7, %add3A_9 : vector<1x4096xf32>
    %log3A_11 = math.log %add3A_10 : vector<1x4096xf32>
    %neg3A_12 = arith.constant 0.000000e+00 : f32
    %neg3A_13 = vector.broadcast %neg3A_12 : f32 to vector<1x4096xf32>
    %neg3A_14 = arith.subf %neg3A_13, %log3A_11 : vector<1x4096xf32>
    %iota3A = tpu.iota {dimensions = array<i32: 1>} : vector<1x4096xi32>
    %eq3A = arith.constant 0 : i32
    %eq3A_15 = arith.cmpi eq, %arg0, %eq3A : i32
    %convert_element_type3A = arith.extui %eq3A_15 : i1 to i32
    %cond3A = arith.constant 0 : i32
    %cond3A_16 = arith.cmpi ne, %convert_element_type3A, %cond3A : i32
    scf.if %cond3A_16 {
      %get3A_21 = arith.constant 0 : index
      %get3A_22 = arith.constant 0 : index
      %get3A_23 = vector.load %arg1[%get3A_21, %get3A_22] : memref<4096x64xf32, #tpu.memory_space<vmem>>, vector<4096x64xf32>
      %swap3A = arith.constant 0 : index
      %swap3A_24 = arith.constant 0 : index
      %swap3A_25 = arith.constant 0 : index
      %swap3A_26 = vector.load %arg6[%swap3A, %swap3A_24, %swap3A_25] : memref<1x4096x64xf32, #tpu.memory_space<vmem>>, vector<1x4096x64xf32>
      %swap3A_27 = vector.shape_cast %swap3A_26 : vector<1x4096x64xf32> to vector<4096x64xf32>
      %swap3A_28 = vector.shape_cast %get3A_23 : vector<4096x64xf32> to vector<1x4096x64xf32>
      tpu.vector_store %arg6[%swap3A, %swap3A_24, %swap3A_25], %swap3A_28 {strides = array<i32>} : memref<1x4096x64xf32, #tpu.memory_space<vmem>>, vector<1x4096x64xf32>,
      %get3A_29 = arith.constant 0 : index
      %get3A_30 = arith.constant 0 : index
      %get3A_31 = vector.load %arg2[%get3A_29, %get3A_30] : memref<1x4096xf32, #tpu.memory_space<vmem>>, vector<1x4096xf32>
      %swap3A_32 = arith.constant 0 : index
      %swap3A_33 = arith.constant 0 : index
      %swap3A_34 = arith.constant 0 : index
      %swap3A_35 = vector.load %arg7[%swap3A_32, %swap3A_33, %swap3A_34] : memref<1x1x4096xf32, #tpu.memory_space<vmem>>, vector<1x1x4096xf32>
      %swap3A_36 = vector.shape_cast %swap3A_35 : vector<1x1x4096xf32> to vector<1x4096xf32>
      %swap3A_37 = vector.shape_cast %get3A_31 : vector<1x4096xf32> to vector<1x1x4096xf32>
      tpu.vector_store %arg7[%swap3A_32, %swap3A_33, %swap3A_34], %swap3A_37 {strides = array<i32>} : memref<1x1x4096xf32, #tpu.memory_space<vmem>>, vector<1x1x4096xf32>,
      %add3A_38 = arith.addf %get3A_31, %neg3A_14 : vector<1x4096xf32>
      %swap3A_39 = arith.constant 0 : index
      %swap3A_40 = arith.constant 0 : index
      %swap3A_41 = vector.load %arg10[%swap3A_39, %swap3A_40] : memref<1x4096xf32, #tpu.memory_space<vmem>>, vector<1x4096xf32>
      tpu.vector_store %arg10[%swap3A_39, %swap3A_40], %add3A_38 {strides = array<i32>} : memref<1x4096xf32, #tpu.memory_space<vmem>>, vector<1x4096xf32>,
      %broadcast_in_dim3A = arith.constant 0 : i32
      %broadcast_in_dim3A_42 = vector.broadcast %broadcast_in_dim3A : i32 to vector<1x4096xi32>
      %swap3A_43 = arith.constant 0 : index
      %swap3A_44 = arith.constant 0 : index
      %swap3A_45 = vector.load %arg8[%swap3A_43, %swap3A_44] : memref<1x4096xi32, #tpu.memory_space<vmem>>, vector<1x4096xi32>
      tpu.vector_store %arg8[%swap3A_43, %swap3A_44], %broadcast_in_dim3A_42 {strides = array<i32>} : memref<1x4096xi32, #tpu.memory_space<vmem>>, vector<1x4096xi32>,
      %swap3A_46 = arith.constant 0 : index
      %swap3A_47 = arith.constant 0 : index
      %swap3A_48 = vector.load %arg9[%swap3A_46, %swap3A_47] : memref<1x4096xi32, #tpu.memory_space<vmem>>, vector<1x4096xi32>
      tpu.vector_store %arg9[%swap3A_46, %swap3A_47], %iota3A {strides = array<i32>} : memref<1x4096xi32, #tpu.memory_space<vmem>>, vector<1x4096xi32>,
    } else {
    }
    %gt3A = arith.constant 0 : i32
    %gt3A_17 = arith.cmpi sgt, %arg0, %gt3A : i32
    %convert_element_type3A_18 = arith.extui %gt3A_17 : i1 to i32
    %cond3A_19 = arith.constant 0 : i32
    %cond3A_20 = arith.cmpi ne, %convert_element_type3A_18, %cond3A_19 : i32
    scf.if %cond3A_20 {
      %get3A_21 = arith.constant 0 : index
      %get3A_22 = arith.constant 0 : index
      %get3A_23 = arith.constant 0 : index
      %get3A_24 = vector.load %arg3[%get3A_21, %get3A_22, %get3A_23] : memref<1x4096x64xf32, #tpu.memory_space<vmem>>, vector<1x4096x64xf32>
      %get3A_25 = vector.shape_cast %get3A_24 : vector<1x4096x64xf32> to vector<4096x64xf32>
      %swap3A = arith.constant 0 : index
      %swap3A_26 = arith.constant 0 : index
      %swap3A_27 = arith.constant 0 : index
      %swap3A_28 = vector.load %arg6[%swap3A, %swap3A_26, %swap3A_27] : memref<1x4096x64xf32, #tpu.memory_space<vmem>>, vector<1x4096x64xf32>
      %swap3A_29 = vector.shape_cast %swap3A_28 : vector<1x4096x64xf32> to vector<4096x64xf32>
      %swap3A_30 = vector.shape_cast %get3A_25 : vector<4096x64xf32> to vector<1x4096x64xf32>
      tpu.vector_store %arg6[%swap3A, %swap3A_26, %swap3A_27], %swap3A_30 {strides = array<i32>} : memref<1x4096x64xf32, #tpu.memory_space<vmem>>, vector<1x4096x64xf32>,
      %get3A_31 = arith.constant 0 : index
      %get3A_32 = arith.constant 0 : index
      %get3A_33 = vector.load %arg5[%get3A_31, %get3A_32] : memref<1x64xf32, #tpu.memory_space<vmem>>, vector<1x64xf32>
      %mul3A = arith.mulf %get3A_33, %get3A_33 : vector<1x64xf32>
      %reduce_sum3A = vector.shape_cast %mul3A : vector<1x64xf32> to vector<1x1x64xf32>
      %reduce_sum3A_34 = arith.constant dense<0.000000e+00> : vector<1xf32>
      %reduce_sum3A_35 = vector.multi_reduction <add>, %reduce_sum3A, %reduce_sum3A_34 [1, 2] : vector<1x1x64xf32> to vector<1xf32>
      %reduce_sum3A_36 = vector.shape_cast %reduce_sum3A_35 : vector<1xf32> to vector<1x1x1xf32>
      %reduce_sum3A_37 = vector.extract %reduce_sum3A_36[0, 0, 0] : f32 from vector<1x1x1xf32>
      %mul3A_38 = arith.constant 5.000000e-01 : f32
      %mul3A_39 = arith.mulf %mul3A_38, %reduce_sum3A_37 : f32
      %dot_general3A = arith.constant dense<0.000000e+00> : vector<1x4096xf32>
      %dot_general3A_40 = tpu.matmul %get3A_33, %get3A_25, %dot_general3A {dimension_numbers = #tpu.dot_dimension_numbers<[1], [1], [0], [0], [0, 0, 1, 0], [], []>, precision = #tpu.contract_precision<fp32>, transpose_lhs_hint = false} : vector<1x64xf32>, vector<4096x64xf32>, vector<1x4096xf32> -> vector<1x4096xf32>
      %sub3A = vector.broadcast %mul3A_39 : f32 to vector<1x4096xf32>
      %sub3A_41 = arith.subf %dot_general3A_40, %sub3A : vector<1x4096xf32>
      %swap3A_42 = arith.constant 0 : index
      %swap3A_43 = arith.constant 0 : index
      %swap3A_44 = arith.constant 0 : index
      %swap3A_45 = vector.load %arg7[%swap3A_42, %swap3A_43, %swap3A_44] : memref<1x1x4096xf32, #tpu.memory_space<vmem>>, vector<1x1x4096xf32>
      %swap3A_46 = vector.shape_cast %swap3A_45 : vector<1x1x4096xf32> to vector<1x4096xf32>
      %swap3A_47 = vector.shape_cast %sub3A_41 : vector<1x4096xf32> to vector<1x1x4096xf32>
      tpu.vector_store %arg7[%swap3A_42, %swap3A_43, %swap3A_44], %swap3A_47 {strides = array<i32>} : memref<1x1x4096xf32, #tpu.memory_space<vmem>>, vector<1x1x4096xf32>,
      %add3A_48 = arith.addf %sub3A_41, %neg3A_14 : vector<1x4096xf32>
      %get3A_49 = arith.constant 0 : index
      %get3A_50 = arith.constant 0 : index
      %get3A_51 = vector.load %arg10[%get3A_49, %get3A_50] : memref<1x4096xf32, #tpu.memory_space<vmem>>, vector<1x4096xf32>
      %gt3A_52 = arith.cmpf ogt, %add3A_48, %get3A_51 : vector<1x4096xf32>
      %get3A_53 = arith.constant 0 : index
      %get3A_54 = arith.constant 0 : index
      %get3A_55 = vector.load %arg10[%get3A_53, %get3A_54] : memref<1x4096xf32, #tpu.memory_space<vmem>>, vector<1x4096xf32>
      %select_n3A = arith.select %gt3A_52, %add3A_48, %get3A_55 : vector<1x4096xi1>, vector<1x4096xf32>
      %swap3A_56 = arith.constant 0 : index
      %swap3A_57 = arith.constant 0 : index
      %swap3A_58 = vector.load %arg10[%swap3A_56, %swap3A_57] : memref<1x4096xf32, #tpu.memory_space<vmem>>, vector<1x4096xf32>
      tpu.vector_store %arg10[%swap3A_56, %swap3A_57], %select_n3A {strides = array<i32>} : memref<1x4096xf32, #tpu.memory_space<vmem>>, vector<1x4096xf32>,
      %get3A_59 = arith.constant 0 : index
      %get3A_60 = arith.constant 0 : index
      %get3A_61 = vector.load %arg8[%get3A_59, %get3A_60] : memref<1x4096xi32, #tpu.memory_space<vmem>>, vector<1x4096xi32>
      %broadcast_in_dim3A = vector.broadcast %arg0 : i32 to vector<1x4096xi32>
      %select_n3A_62 = arith.select %gt3A_52, %broadcast_in_dim3A, %get3A_61 : vector<1x4096xi1>, vector<1x4096xi32>
      %swap3A_63 = arith.constant 0 : index
      %swap3A_64 = arith.constant 0 : index
      %swap3A_65 = vector.load %arg8[%swap3A_63, %swap3A_64] : memref<1x4096xi32, #tpu.memory_space<vmem>>, vector<1x4096xi32>
      tpu.vector_store %arg8[%swap3A_63, %swap3A_64], %select_n3A_62 {strides = array<i32>} : memref<1x4096xi32, #tpu.memory_space<vmem>>, vector<1x4096xi32>,
      %mul3A_66 = arith.constant 4096 : i32
      %mul3A_67 = arith.muli %arg0, %mul3A_66 : i32
      %add3A_68 = vector.broadcast %mul3A_67 : i32 to vector<1x4096xi32>
      %add3A_69 = arith.addi %add3A_68, %iota3A : vector<1x4096xi32>
      %get3A_70 = arith.constant 0 : index
      %get3A_71 = arith.constant 0 : index
      %get3A_72 = vector.load %arg9[%get3A_70, %get3A_71] : memref<1x4096xi32, #tpu.memory_space<vmem>>, vector<1x4096xi32>
      %select_n3A_73 = arith.select %gt3A_52, %add3A_69, %get3A_72 : vector<1x4096xi1>, vector<1x4096xi32>
      %swap3A_74 = arith.constant 0 : index
      %swap3A_75 = arith.constant 0 : index
      %swap3A_76 = vector.load %arg9[%swap3A_74, %swap3A_75] : memref<1x4096xi32, #tpu.memory_space<vmem>>, vector<1x4096xi32>
      tpu.vector_store %arg9[%swap3A_74, %swap3A_75], %select_n3A_73 {strides = array<i32>} : memref<1x4096xi32, #tpu.memory_space<vmem>>, vector<1x4096xi32>,
    } else {
    }
    return
  }
  func.func @transform_0(%arg0: i32) -> (i32, i32) {
    %c0_i32 = arith.constant 0 : i32
    %c0_i32_0 = arith.constant 0 : i32
    %c0_i32_1 = arith.constant 0 : i32
    return %c0_i32, %c0_i32_0 : i32, i32
  }
  func.func @transform_1(%arg0: i32) -> (i32, i32) {
    %c0_i32 = arith.constant 0 : i32
    %c0_i32_0 = arith.constant 0 : i32
    %c0_i32_1 = arith.constant 0 : i32
    return %c0_i32, %c0_i32_0 : i32, i32
  }
  func.func @transform_2(%arg0: i32) -> (i32, i32, i32) {
    %sub3A = arith.constant 1 : i32
    %sub3A_0 = arith.subi %arg0, %sub3A : i32
    %max3A = arith.constant 0 : i32
    %max3A_1 = arith.maxsi %sub3A_0, %max3A : i32
    %c0_i32 = arith.constant 0 : i32
    %c0_i32_2 = arith.constant 0 : i32
    %c0_i32_3 = arith.constant 0 : i32
    return %max3A_1, %c0_i32, %c0_i32_2 : i32, i32, i32
  }
  func.func @transform_3(%arg0: i32) -> (i32, i32, i32) {
    %c0_i32 = arith.constant 0 : i32
    %c0_i32_0 = arith.constant 0 : i32
    %c0_i32_1 = arith.constant 0 : i32
    return %arg0, %c0_i32, %c0_i32_0 : i32, i32, i32
  }
  func.func @transform_4(%arg0: i32) -> (i32, i32) {
    %c0_i32 = arith.constant 0 : i32
    %c0_i32_0 = arith.constant 0 : i32
    %c0_i32_1 = arith.constant 0 : i32
    return %c0_i32, %c0_i32_0 : i32, i32
  }
  func.func @transform_5(%arg0: i32) -> (i32, i32, i32) {
    %c0_i32 = arith.constant 0 : i32
    %c0_i32_0 = arith.constant 0 : i32
    %c0_i32_1 = arith.constant 0 : i32
    return %arg0, %c0_i32, %c0_i32_0 : i32, i32, i32
  }
  func.func @transform_6(%arg0: i32) -> (i32, i32, i32) {
    %c0_i32 = arith.constant 0 : i32
    %c0_i32_0 = arith.constant 0 : i32
    %c0_i32_1 = arith.constant 0 : i32
    return %arg0, %c0_i32, %c0_i32_0 : i32, i32, i32
  }
  func.func @transform_7(%arg0: i32) -> (i32, i32) {
    %c0_i32 = arith.constant 0 : i32
    %c0_i32_0 = arith.constant 0 : i32
    %c0_i32_1 = arith.constant 0 : i32
    return %c0_i32, %c0_i32_0 : i32, i32
  }
  func.func @transform_8(%arg0: i32) -> (i32, i32) {
    %c0_i32 = arith.constant 0 : i32
    %c0_i32_0 = arith.constant 0 : i32
    %c0_i32_1 = arith.constant 0 : i32
    return %c0_i32, %c0_i32_0 : i32, i32
  }
}

</mosaic_0001>

<sc_bundles>
// kernel: kernel.4.cloned.1.call-start
scs
__scs_entry_jumppad:
0x0: {  	(pc) =	sbr.rel $0x88, $3  }
0x1: {  	(tag) =	ssettag $0x0;
	lr =	simm.s32 $0x1  }
0x2: {  	[smem:$0x3F9C] =	sst lr;
	_ =	strace $0xD0000000  }
0x3: {  	_ = 	snop  }
0x4: {  	_ = 	snop  }
0x5: {  	_ = 	snop  }
0x6: {  	_ = 	snop  }
0x7: {  	_ = 	snop  }
__scs_overlays_trampoline_lowered:
0x8: {  	[smem:$0x3FAB] =	sst s0  }
0x9: {  	[smem:$0x3FAC] =	sst s1  }
0xa: {  	[smem:$0x3FAD] =	sst s2  }
0xb: {  	[smem:$0x3FAE] =	sst s3  }
0xc: {  	[smem:$0x3FAF] =	sst s4  }
0xd: {  	[smem:$0x3FB0] =	sst s5  }
0xe: {  	[smem:$0x3FB1] =	sst s6  }
0xf: {  	[smem:$0x3FB2] =	sst s7  }
0x10: {  	[smem:$0x3FB3] =	sst s8  }
0x11: {  	[smem:$0x3FB4] =	sst s9;
	s0 =	simm.s32 @!p0 $0x0  }
0x12: {  	s1 =	sld [smem:$0x3F9A];
	s0 =	simm.s32 @p0 $0x1  }
0x13: {  	[smem:$0x3FB5] =	sst s0;
	s0 =	simm.s32 @!p1 $0x0  }
0x14: {  	s2 =	sld [smem:$0x3F99];
	s0 =	simm.s32 @p1 $0x1  }
0x15: {  	[smem:$0x3FB6] =	sst s0;
	s0 =	simm.s32 @!p2 $0x0  }
0x16: {  	s3 =	sld [smem:$0x3FDB];
	s0 =	simm.s32 @p2 $0x1  }
0x17: {  	s4 =	simm.s32 $0x1BF5;
	[smem:$0x3FB8] =	sst s0  }
0x18: {  	s0 =	sld [smem:$0x3F9B];
	_ =	swait.ge [sflag:s4], $0x0  }
0x19: {  	s7 =	sld [smem:$0x3F9C]  }
0x1a: {  	s8 =	sadd.s32 $0xFFFFE003, lr  }
0x1b: {  	s9 =	sadd.s32 $0xFFFFFEF7, lr;
	s5 =	simm.s32 $0xFFFFFFFF;
	p2 =	slt.u32 s8, $0xFFFFF086  }
0x1c: {  	p1 =	slt.u32 s9, $0xF7A;
	s5 =	simm.s32 @!p2 $0x0  }
0x1d: {  	s5 =	simm.s32 @p1 $0x1;
	p0 =	seq.s32 s7, s2  }
0x1e: {  	s7 =	smul.u32 @!p0 $0xF7A, s2;
	p2 =	seq.s32 @!p0 s5, $0x0  }
0x1f: {  	s9 =	smul.u32 $0xF7A, s1;
	s8 =	simm.s32 @!p0 $0x1BF5;
	p2 =	por !p2, p0  }
0x20: {  	[sflag:s8] =	ssyncset.s32 @!p0 $0xFFFFF086;
	s6 =	sadd.s32 @!p0 s3, s7;
	s7 =	simm.s32 @!p0 $0x108  }
0x21: {  	s3 =	sadd.s32 s3, s9;
	s6 =	sadd.s32 @!p0 $0x88, s6;
	s7 =	simm.s32 @p2 $0x1082  }
0x22: {  	[simem:s7], [sflag:s8] =	dma.local @!p0 [hbm:s6], $0xF7A  }
0x23: {  	s9 =	sor.u32 $0xD0000000, s2;
	s6 =	simm.s32 $0x108;
	_ =	swait.ge @!p0 [sflag:s8], $0x0  }
0x24: {  	s3 =	sadd.s32 $0x88, s3;
	s6 =	simm.s32 @!p1 $0x1082;
	[sflag:s4] =	ssyncset.s32 $0xFFFFF086  }
0x25: {  	[simem:s6], [sflag:s4] =	dma.local [hbm:s3], $0xF7A  }
0x26: {  	[smem:$0x3F9C] =	sst s1;
	(tag) =	ssettag s2;
	_ =	strace s9  }
0x27: {  	s1 =	sld [smem:$0x3FAC]  }
0x28: {  	s2 =	sld [smem:$0x3FAD]  }
0x29: {  	s4 =	sld [smem:$0x3FAF]  }
0x2a: {  	p0 =	seq.s32 s5, $0x0;
	s5 =	sld [smem:$0x3FB0]  }
0x2b: {  	s6 =	sld [smem:$0x3FB1]  }
0x2c: {  	s7 =	sld [smem:$0x3FB2]  }
0x2d: {  	s3 =	simm.s32 $0x108;
	s8 =	sld [smem:$0x3FB3]  }
0x2e: {  	s3 =	simm.s32 @!p0 $0x1082;
	s9 =	sld [smem:$0x3FB4]  }
0x2f: {  	lr =	sadd.s32 s0, s3;
	s0 =	sld [smem:$0x3FAB]  }
0x30: {  	s3 =	sld [smem:$0x3FAE]  }
0x31: {  	[smem:$0x3FB7] =	sst s10  }
0x32: {  	s10 =	sld [smem:$0x3FB5];
	_ =	sdelay $0x3  }
0x33: {  	p0 =	seq.s32 s10, $0x1;
	s10 =	sld [smem:$0x3FB7];
	_ =	sdelay $0x3  }
0x34: {  	[smem:$0x3FB7] =	sst s10  }
0x35: {  	s10 =	sld [smem:$0x3FB6];
	_ =	sdelay $0x3  }
0x36: {  	p1 =	seq.s32 s10, $0x1;
	s10 =	sld [smem:$0x3FB7];
	_ =	sdelay $0x3  }
0x37: {  	[smem:$0x3FB7] =	sst s10  }
0x38: {  	s10 =	sld [smem:$0x3FB8]  }
0x39: {  	_ = 	snop;
	(pc) =	sbr.ind lr, $3  }
0x3a: {  	_ = 	snop  }
0x3b: {  	_ = 	snop  }
0x3c: {  	p2 =	seq.s32 s10, $0x1;
	s10 =	sld [smem:$0x3FB7]  }
0x3d: {  	_ =	shalt  }
0x3e: {  	_ =	shalt  }
0x3f: {  	_ =	shalt  }
0x40: {  	_ =	shalt  }
0x41: {  	_ =	shalt  }
0x42: {  	_ =	shalt  }
0x43: {  	_ =	shalt  }
0x44: {  	_ =	shalt  }
0x45: {  	_ =	shalt  }
0x46: {  	_ =	shalt  }
0x47: {  	_ =	shalt  }
0x48: {  	_ =	shalt  }
0x49: {  	_ =	shalt  }
0x4a: {  	_ =	shalt  }
0x4b: {  	_ =	shalt  }
0x4c: {  	_ =	shalt  }
0x4d: {  	_ =	shalt  }
0x4e: {  	_ =	shalt  }
0x4f: {  	_ =	shalt  }
0x50: {  	_ =	shalt  }
0x51: {  	_ =	shalt  }
0x52: {  	_ =	shalt  }
0x53: {  	_ =	shalt  }
0x54: {  	_ =	shalt  }
0x55: {  	_ =	shalt  }
0x56: {  	_ =	shalt  }
0x57: {  	_ =	shalt  }
0x58: {  	_ =	shalt  }
0x59: {  	_ =	shalt  }
0x5a: {  	_ =	shalt  }
0x5b: {  	_ =	shalt  }
0x5c: {  	_ =	shalt  }
0x5d: {  	_ =	shalt  }
0x5e: {  	_ =	shalt  }
0x5f: {  	_ =	shalt  }
0x60: {  	_ =	shalt  }
0x61: {  	_ =	shalt  }
0x62: {  	_ =	shalt  }
0x63: {  	_ =	shalt  }
0x64: {  	_ =	shalt  }
0x65: {  	_ =	shalt  }
0x66: {  	_ =	shalt  }
0x67: {  	_ =	shalt  }
0x68: {  	_ =	shalt  }
0x69: {  	_ =	shalt  }
0x6a: {  	_ =	shalt  }
0x6b: {  	_ =	shalt  }
0x6c: {  	_ =	shalt  }
0x6d: {  	_ =	shalt  }
0x6e: {  	_ =	shalt  }
0x6f: {  	_ =	shalt  }
0x70: {  	_ =	shalt  }
0x71: {  	_ =	shalt  }
0x72: {  	_ =	shalt  }
0x73: {  	_ =	shalt  }
0x74: {  	_ =	shalt  }
0x75: {  	_ =	shalt  }
0x76: {  	_ =	shalt  }
0x77: {  	_ =	shalt  }
0x78: {  	_ =	shalt  }
0x79: {  	_ =	shalt  }
0x7a: {  	_ =	shalt  }
0x7b: {  	_ =	shalt  }
0x7c: {  	_ =	shalt  }
0x7d: {  	_ =	shalt  }
0x7e: {  	_ =	shalt  }
0x7f: {  	_ =	shalt  }
0x80: {  	_ =	shalt  }
0x81: {  	_ =	shalt  }
0x82: {  	_ =	shalt  }
0x83: {  	_ =	shalt  }
0x84: {  	_ =	shalt  }
0x85: {  	_ =	shalt  }
0x86: {  	_ =	shalt  }
0x87: {  	_ =	shalt  }
.Lfunc_end0:
.L_simem_size_0:
called_computation_lowered:
.L_overlay_start_0:
0x88: {  	s2 =	sld [smem:$0x3FD9]  }
0x89: {  	s3 =	sld [smem:$0x3FFE];
	_ =	sdelay $0x1  }
0x8a: {  	s1 =	srdreg.scid  }
0x8b: {  	s0 =	sand.u32 $0x1, s1  }
0x8c: {  	s14 =	sshll.u32 s0, $0xA;
	s2 =	sadd.s32 s3, s2  }
0x8d: {  	s2 =	sadd.s32 s2, s14  }
0x8e: {  	[smem:$0x3FC3] =	sst s2  }
0x8f: {  	_ = 	snop  }
0x90: {  	s2 =	sld [smem:$0x3FD0];
	_ =	sdelay $0x2  }
0x91: {  	s15 =	simm.s32 $0xA;
	s4 =	simm.s32 $0x10  }
0x92: {  	[smem:s4], [sflag:s15] =	dma.local [hbm:s2], $0x1  }
0x93: {  	_ =	swait.eq [sflag:s15], $0x1  }
0x94: {  	[sflag:s15] =	ssyncset.done $0x0  }
0x95: {  	[sflag:s15] =	ssyncadd.s32 $0xFFFFFFFF  }
0x96: {  	s16 =	sld [smem:$0x13];
	(tm) =	ssettm $0x1  }
0x97: {  	s17 =	sld [smem:$0x3FFB];
	_ =	sdelay $0x3  }
0x98: {  	_ =	strace s17  }
0x99: {  	s3 =	sld [smem:$0x3FFC];
	_ =	sdelay $0x3  }
0x9a: {  	_ =	strace s3  }
0x9b: {  	s3 =	sld [smem:$0x3FFD];
	_ =	sdelay $0x3  }
0x9c: {  	_ =	strace s3  }
0x9d: {  	_ =	strace $0x8FFFFFFF  }
0x9e: {  	s18 =	sld [smem:$0x3FDB];
	_ =	sdelay $0x1  }
0x9f: {  	s19 =	simm.s32 $_scs_section_size  }
0xa0: {  	s5 =	simm.s32 $_size__tile_overlayer_lowered;
	s6 =	simm.s32 $_tile_overlayer_lowered  }
0xa1: {  	s22 =	simm.s32 $0x1BFF;
	s21 =	sshll.u32 s6, $0x1;
	s3 =	sadd.s32 s19, s18  }
0xa2: {  	s7 =	simm.s32 $0x0;
	s20 =	sshll.u32 s5, $0x1;
	s5 =	sadd.s32 s21, s3  }
0xa3: {  	[timem:s7], [sflag:s22] =	dma.local [hbm:s5], s20  }
0xa4: {  	_ =	swait.ge [sflag:s22], s20  }
0xa5: {  	s4 =	ssub.s32 $0x0, s20;
	[sflag:s22] =	ssyncset.done $0x0  }
0xa6: {  	[sflag:s22] =	ssyncadd.s32 s4;
	_ =	sdelay $0x1  }
0xa7: {  	s23 =	simm.s32 $0x1B8B  }
0xa8: {  	_ =	swait.ge [sflag:s23], $0x1  }
0xa9: {  	[sflag:s23] =	ssyncset.done $0x0  }
0xaa: {  	s25 =	simm.s32 $0x1B8E;
	s24 =	sld [smem:$0x3FFE];
	[sflag:s23] =	ssyncadd.s32 $0xFFFFFFFF  }
0xab: {  	s26 =	simm.s32 $execute0_lowered;
	[smem:$0x3FD2] =	sst s25  }
0xac: {  	s5 =	sshll.u32 s26, $0x1;
	_ =	strace $0x80000046;
	[dreg:$0x1] =	wrdreg $0xFFFFFFFF  }
0xad: {  	s28 =	simm.s32 $_size_execute0_lowered;
	s3 =	sadd.s32 s3, s5;
	[dreg:$0x0] =	wrdreg $0x0  }
0xae: {  	s5 =	sshll.u32 s28, $0x1;
	[dreg:$0x2] =	wrdreg s3  }
0xaf: {  	[dreg:$0x3] =	wrdreg s5  }
0xb0: {  	[dreg:$0x4] =	wrdreg $0xC0  }
0xb1: {  	_ =	task [dreg:s7], $0x5FFFF  }
0xb2: {  	[dreg:$0x1] =	wrdreg $0xFFFFFFFF  }
0xb3: {  	[dreg:$0x0] =	wrdreg $0x60  }
0xb4: {  	[dreg:$0x2] =	wrdreg s24  }
0xb5: {  	[dreg:$0x3] =	wrdreg s16  }
0xb6: {  	[dreg:$0x4] =	wrdreg $0x9  }
0xb7: {  	_ =	task.clear_ibuf [dreg:s7], $0x5FFFF;
	_ =	strace $0x90000046  }
0xb8: {  	s29 =	simm.s32 $0x9;
	_ =	strace $0x80000048  }
0xb9: {  	_ =	swait.ge [sflag:s29], $0x1  }
0xba: {  	[sflag:s29] =	ssyncadd.s32 $0xFFFFFFFF  }
0xbb: {  	_ =	strace $0x90000048  }
0xbc: {  	_ =	sfence  }
0xbd: {  	s30 =	sld [smem:$0x0];
	_ =	sdelay $0x2  }
0xbe: {  	s31 =	sshll.u32 s1, $0xD;
	s1 =	sshrl.u32 s1, $0x2  }
0xbf: {  	s3 =	sand.u32 $0x4000, s31;
	s1 =	sadd.s32 s1, s30  }
0xc0: {  	s0 =	sor.u32 s3, s0;
	s1 =	sshll.u32 s1, $0x11  }
0xc1: {  	s0 =	sor.u32 s1, s0  }
0xc2: {  	s0 =	sadd.s32 $0x8F2B, s0  }
0xc3: {  	[sflag:s0] =	ssyncadd.remote.s32 $0x1  }
0xc4: {  	_ =	sfence.sel $0xFFFF  }
0xc5: {  	[dreg:$0x0] =	wrdreg $0xFFFFFFFF;
	(pc) =	sbr.abs _section_cstart, $3  }
0xc6: {  	[dreg:$0x1] =	wrdreg $0xFFFFFFFF  }
0xc7: {  	_ =	task.clear_ibuf [dreg:s7], $0x2FFFF;
	_ =	strace $0x9FFFFFFF  }
0xc8: {  	(tm) =	ssettm $0x7FFFFFFF  }
0xc9: {  	_ =	shalt  }
tec
execute0_lowered:
.L_overlay_start_1:
0x0: {  	(tag) =	ssettag $0x1  }
0x1: {  	s1 =	srdreg.scid  }
0x2: {  	s0 =	stileid.u32;
	s6 =	sand.u32 $0x1, s1  }
0x3: {  	s5 =	rddreg [dreg:$0x0];
	s30 =	sshll.u32 s0, $0x8;
	s2 =	sshll.u32 s6, $0x7  }
0x4: {  	s8 =	rddreg [dreg:$0x1];
	s9 =	sor.u32 s2, s30  }
0x5: {  	s1 =	rddreg [dreg:$0x2];
	s2 =	simm.s32 $0x0;
	s3 =	sshrl.u32 s9, $0x3  }
0x6: {  	s10 =	ssub.s32 $0x2, s6;
	[smem:$0x7FF] =	sst s2;
	s3 =	sadd.s32 s3, s5  }
0x7: {  	_ =	strace $0x80000047;
	s4 =	sadd.s32 $0x1200, s3;
	s3 =	simm.s32 $0x2  }
0x8: {  	[tilespmem:s2], [sflag:$0x2] =	stream.linear.gather [hbm4b:s4+s2], $0x80, $0x38;
	[tilespmem:$0x2080] =	vst v63  }
0x9: {  	s7 =	simm.s32 $0x1;
	s11 =	sshrl.u32 s10, $0x1;
	_ =	swait.ge [sflag:s3], $0x80  }
0xa: {  	s6 =	simm.s32 $0x80;
	s10 =	ssub.s32 s10, s11;
	[sflag:s3] =	ssyncset.done $0x0  }
0xb: {  	s5 =	sadd.s32 $0x1400, s5;
	s31 =	smax.u32 s10, $0x1;
	[sflag:s3] =	ssyncadd.s32 $0xFFFFFF80  }
0xc: {  	[tilespmem:s6], [sflag:$0x1] =	stream.indirect.gather [hbm4b:s5+s6], $0x40, s2, s6, $0xb8;
	[tilespmem:$0x2080] =	vst v63  }
0xd: {  	p0 =	sne.s32 s31, $0x1;
	_ =	swait.ge [sflag:s7], $0x2000  }
.Ltmp0:
0xe: {  	s9 =	sshll.u32 s9, $0x3;
	[sflag:s7] =	ssyncset.done $0x0;
	(pc) =	sbr.rel @!p0 .LBB2_2-.Ltmp0, $4  }
0xf: {  	s8 =	sadd.s32 s8, s9;
	[sflag:s7] =	ssyncadd.s32 $0xFFFFE000  }
0x10: {  	[hbm4b:s8+s2] =	stream.linear.scatter [tilespmem:s6], [sflag:$0x2], $0x2000, $0x38;
	[tilespmem:$0x2080] =	vst v63  }
0x11: {  	_ =	swait.ge [sflag:s3], $0x2000  }
0x12: {  	s9 =	sadd.s32 $0xFFFFFFFF, s31;
	[sflag:s3] =	ssyncset.done $0x0  }
.LBB2_1:
0x13: {  	p0 =	sne.s32 s9, $0x1;
	s9 =	sadd.s32 $0xFFFFFFFF, s9;
	[sflag:s3] =	ssyncadd.s32 $0xFFFFE000  }
0x14: {  	[tilespmem:s2], [sflag:$0x2] =	stream.linear.gather [hbm4b:s4+s2], $0x80, $0x38;
	[tilespmem:$0x2080] =	vst v63  }
0x15: {  	_ =	swait.ge [sflag:s3], $0x80  }
0x16: {  	[sflag:s3] =	ssyncset.done $0x0  }
0x17: {  	[sflag:s3] =	ssyncadd.s32 $0xFFFFFF80  }
0x18: {  	[tilespmem:s6], [sflag:$0x1] =	stream.indirect.gather [hbm4b:s5+s6], $0x40, s2, s6, $0xb8;
	[tilespmem:$0x2080] =	vst v63  }
0x19: {  	_ =	swait.ge [sflag:s7], $0x2000  }
.Ltmp1:
0x1a: {  	[sflag:s7] =	ssyncset.done $0x0;
	(pc) =	sbr.rel @p0 .LBB2_1-.Ltmp1, $4  }
0x1b: {  	[sflag:s7] =	ssyncadd.s32 $0xFFFFE000  }
0x1c: {  	[hbm4b:s8+s2] =	stream.linear.scatter [tilespmem:s6], [sflag:$0x2], $0x2000, $0x38;
	[tilespmem:$0x2080] =	vst v63  }
0x1d: {  	_ =	swait.ge [sflag:s3], $0x2000  }
0x1e: {  	[sflag:s3] =	ssyncset.done $0x0  }
.LBB2_2:
0x1f: {  	[sflag:s3] =	ssyncadd.s32 $0xFFFFE000  }
0x20: {  	_ =	sfence.sel $0x180000  }
0x21: {  	[bflag:$0x0] =	sbarrier.arrive $0xFFFF  }
0x22: {  	p0 =	sne.s32 s0, $0x0;
	_ =	strace $0x90000047  }
0x23: {  	s0 =	sadd.s32 @!p0 $0x100000, s1;
	[bflag:$0x2] =	sbarrier.arrive $0xFFFF  }
0x24: {  	[sflag:s0] =	ssyncadd.tile.s32 @!p0 $0x1;
	_ =	shalt  }
.Lfunc_end2:
_tile_overlayer_lowered:
.L_overlay_start_2:
0x25: {  	(tag) =	ssettag $0x2  }
0x26: {  	s0 =	rddreg [dreg:$0x0];
	s2 =	stileid.u32  }
0x27: {  	s1 =	rddreg [dreg:$0x1];
	p0 =	sne.s32 s2, $0x0  }
0x28: {  	s3 =	rddreg [dreg:$0x2];
	[bflag:$0x3] =	sbarrier.arrive $0xFFFF;
	s2 =	simm.s32 @!p0 $0x1C02  }
0x29: {  	[timem:s3], [sflag:s2] =	dma.local @!p0 [hbm:s0], s1  }
0x2a: {  	s0 =	simm.s32 @!p0 $0x2  }
0x2b: {  	_ =	swait.ge @!p0 [sflag:s0], s1  }
0x2c: {  	s1 =	ssub.s32 @!p0 $0x0, s1;
	[sflag:s0] =	ssyncset.done @!p0 $0x0  }
0x2d: {  	[sflag:s0] =	ssyncadd.s32 @!p0 s1  }
0x2e: {  	[bflag:$0x3] =	sbarrier.arrive $0xFFFF  }
0x2f: {  	_ =	shalt  }

</sc_bundles>
